<compile_context>
chip_gen: v7x
topology: tpu7x:2x2x1
jax: 0.10.2.dev20260603
libtpu: 0.0.44.dev20260713+nightly
codegen_flags: <defaults>
</compile_context>

<pallas_src>
import functools

import jax
import jax.numpy as jnp
from jax import lax
from jax.experimental import pallas as pl
from jax.experimental.pallas import tpu as pltpu
from jax.experimental.pallas import tpu_sc as plsc

_B = 16
_TOTAL = 32768
_MAXLEN = 4096
_NC = 1
_NS = 16
_L = 16
_NW = _NC * _NS
_TPW = _TOTAL // _NW


def _posid_sc(offsets, buffer):
  mesh = plsc.VectorSubcoreMesh(
      core_axis_name="c", subcore_axis_name="s", num_cores=1)

  @functools.partial(
      pl.kernel,
      mesh=mesh,
      out_type=jax.ShapeDtypeStruct((_TOTAL,), jnp.float32),
      compiler_params=pltpu.CompilerParams(needs_layout_passes=False),
      scratch_types=[
          pltpu.VMEM((_B + 1,), jnp.int32),
          pltpu.VMEM((_MAXLEN,), jnp.float32),
          pltpu.VMEM((_TPW,), jnp.float32),
          pltpu.SemaphoreType.DMA,
      ],
  )
  def k(offsets_hbm, buffer_hbm, out_hbm, off_v, buf_v, out_v, sem):
    wid = lax.axis_index("s") * _NC + lax.axis_index("c")
    base = pl.multiple_of(wid * _TPW, _TPW)
    buf_dma = pltpu.async_copy(buffer_hbm, buf_v, sem)
    pltpu.sync_copy(offsets_hbm, off_v)

    iota = lax.iota(jnp.int32, _L)
    off_vec = off_v[pl.ds(0, _L)]
    dnums = lax.GatherDimensionNumbers(
        offset_dims=(), collapsed_slice_dims=(0,), start_index_map=(0,))
    bnd = [
        lax.gather(off_vec, jnp.full((_L, 1), j, jnp.int32), dnums,
                   slice_sizes=(1,),
                   mode=lax.GatherScatterMode.PROMISE_IN_BOUNDS)
        for j in range(_B)
    ]

    buf_dma.wait()

    half = _TPW // 2

    def body(i):
      tok = base + i + iota
      off = bnd[0]
      for j in range(1, _B):
        off = jnp.where(tok >= bnd[j], bnd[j], off)
      sl = pl.ds(pl.multiple_of(i, _L), _L)
      out_v[sl] = plsc.load_gather(buf_v, [tok - off])

    plsc.parallel_loop(0, half, step=_L, unroll=1)(body)
    out_dma = pltpu.async_copy(
        out_v.at[pl.ds(0, half)], out_hbm.at[pl.ds(base, half)], sem)
    plsc.parallel_loop(half, _TPW, step=_L, unroll=1)(body)
    pltpu.sync_copy(
        out_v.at[pl.ds(half, half)], out_hbm.at[pl.ds(base + half, half)])
    out_dma.wait()

  return k(offsets, buffer)


def kernel(input_ids, offsets, buffer):
  del input_ids
  return _posid_sc(offsets, buffer)

# --- scband reference (transcript-rebuilt; emitter-appended) ---
"""Pipeline reference for scband-position-id-80668075753523 (READ-ONLY COPY).

The authoritative reference and input builder live on the scoring server;
editing this copy changes nothing except your own understanding.
"""

import jax, jax.numpy as jnp
import numpy as np

B = 16
MAX_SEQLEN = 4096
SEQ_LEN = 2048  # total_tokens ~ batch * max_seqlen / 2 -> uniform seqlen of 2048
TOTAL = B * SEQ_LEN  # 32768


def setup_inputs(seed: int = 0) -> dict:
    key = jax.random.key(seed)
    k1, _ = jax.random.split(key)
    # jagged input_ids represented as (flat values, offsets) like torch nested jagged layout
    input_ids = jax.random.randint(k1, (TOTAL,), 0, 32000, dtype=jnp.int32)
    offsets = (jnp.arange(B + 1, dtype=jnp.int32) * SEQ_LEN)
    # the registered buffer: position-id table of length MAX_SEQLEN (arange, stored as float32 param)
    buffer = jnp.arange(MAX_SEQLEN, dtype=jnp.float32)
    return {"input_ids": input_ids, "offsets": offsets, "buffer": buffer}


def reference(input_ids, offsets, buffer):
    # torch forward: lengths = diff(offsets); out_values = concat([buffer[:L] for L in lengths])
    # equivalently, for flat token t in segment s: out[t] = buffer[t - offsets[s]]
    total = input_ids.shape[0]
    tok = jnp.arange(total, dtype=jnp.int32)
    seg = jnp.searchsorted(offsets, tok, side='right') - 1  # segment id per token
    pos = tok - jnp.take(offsets, seg)                       # within-segment position
    out_values = jnp.take(buffer, pos, axis=0)               # gather buffer[:L] per segment
    # jagged output = (out_values, offsets); return values (offsets unchanged, int)
    return out_values

if __name__ == "__main__":
    import jax
    _d = setup_inputs()
    print(jax.jit(kernel)(*tuple(_d.values())))

</pallas_src>

<mosaic_0001>
#map = affine_map<(d0, d1) -> (0)>
module attributes {stable_mosaic.version = 14 : i64} {
  func.func @k(%arg0: i32, %arg1: i32, %arg2: memref<17xi32, #tpu.memory_space<hbm>>, %arg3: memref<4096xf32, #tpu.memory_space<hbm>>, %arg4: memref<32768xf32, #tpu.memory_space<hbm>>, %arg5: memref<17xi32, #tpu.memory_space<vmem>>, %arg6: memref<4096xf32, #tpu.memory_space<vmem>>, %arg7: memref<2048xf32, #tpu.memory_space<vmem>>, %arg8: memref<!tpu.dma_semaphore, #tpu.memory_space<semaphore_mem>>) attributes {dimension_semantics = [#tpu.dimension_semantics<core_parallel>, #tpu.dimension_semantics<subcore_parallel>], iteration_bounds = array<i64: 1, 16>, scalar_prefetch = 0 : i64, scratch_operands = 4 : i64, tpu.core_type = #tpu.core_type<sc_vector_subcore>, window_params = [{transform_indices = #map}, {transform_indices = #map}, {transform_indices = #map}]} {
    %mul3A = arith.constant 1 : i32
    %mul3A_0 = arith.muli %arg1, %mul3A : i32
    %add3A = arith.addi %mul3A_0, %arg0 : i32
    %mul3A_1 = arith.constant 2048 : i32
    %mul3A_2 = arith.muli %add3A, %mul3A_1 : i32
    %multiple_of3A = tpu.assume_multiple %mul3A_2, 2048 : i32
    tpu.enqueue_dma source(%arg3 : memref<4096xf32, #tpu.memory_space<hbm>>) target(%arg6 : memref<4096xf32, #tpu.memory_space<vmem>>) target_semaphore(%arg8 : memref<!tpu.dma_semaphore, #tpu.memory_space<semaphore_mem>>)
    "tpu.region"() ({
      %run_scoped3A = tpu.sem_alloc : memref<!tpu.dma_semaphore, #tpu.memory_space<semaphore_mem>>
      tpu.enqueue_dma source(%arg2 : memref<17xi32, #tpu.memory_space<hbm>>) target(%arg5 : memref<17xi32, #tpu.memory_space<vmem>>) target_semaphore(%run_scoped3A : memref<!tpu.dma_semaphore, #tpu.memory_space<semaphore_mem>>)
      tpu.wait_dma2 semaphore(%run_scoped3A : memref<!tpu.dma_semaphore, #tpu.memory_space<semaphore_mem>>) src(%arg2 : memref<17xi32, #tpu.memory_space<hbm>>) dst(%arg5 : memref<17xi32, #tpu.memory_space<vmem>>)
      tpu.yield
    }) : () -> ()
    %iota3A = tpu.iota {dimensions = array<i32: 0>} : vector<16xi32>
    %get3A = arith.constant 0 : index
    %get3A_3 = tpu.vector_load %arg5[%get3A] {strides = array<i32>} : memref<17xi32, #tpu.memory_space<vmem>>, vector<16xi32>,
    %broadcast_in_dim3A = arith.constant 0 : i32
    %broadcast_in_dim3A_4 = vector.broadcast %broadcast_in_dim3A : i32 to vector<16x1xi32>
    %gather3A = vector.shape_cast %broadcast_in_dim3A_4 : vector<16x1xi32> to vector<16xi32>
    %gather3A_5 = tpu.dynamic_gather %get3A_3[%gather3A] in [0] : vector<16xi32>, vector<16xi32> -> vector<16xi32>
    %broadcast_in_dim3A_6 = arith.constant 1 : i32
    %broadcast_in_dim3A_7 = vector.broadcast %broadcast_in_dim3A_6 : i32 to vector<16x1xi32>
    %gather3A_8 = vector.shape_cast %broadcast_in_dim3A_7 : vector<16x1xi32> to vector<16xi32>
    %gather3A_9 = tpu.dynamic_gather %get3A_3[%gather3A_8] in [0] : vector<16xi32>, vector<16xi32> -> vector<16xi32>
    %broadcast_in_dim3A_10 = arith.constant 2 : i32
    %broadcast_in_dim3A_11 = vector.broadcast %broadcast_in_dim3A_10 : i32 to vector<16x1xi32>
    %gather3A_12 = vector.shape_cast %broadcast_in_dim3A_11 : vector<16x1xi32> to vector<16xi32>
    %gather3A_13 = tpu.dynamic_gather %get3A_3[%gather3A_12] in [0] : vector<16xi32>, vector<16xi32> -> vector<16xi32>
    %broadcast_in_dim3A_14 = arith.constant 3 : i32
    %broadcast_in_dim3A_15 = vector.broadcast %broadcast_in_dim3A_14 : i32 to vector<16x1xi32>
    %gather3A_16 = vector.shape_cast %broadcast_in_dim3A_15 : vector<16x1xi32> to vector<16xi32>
    %gather3A_17 = tpu.dynamic_gather %get3A_3[%gather3A_16] in [0] : vector<16xi32>, vector<16xi32> -> vector<16xi32>
    %broadcast_in_dim3A_18 = arith.constant 4 : i32
    %broadcast_in_dim3A_19 = vector.broadcast %broadcast_in_dim3A_18 : i32 to vector<16x1xi32>
    %gather3A_20 = vector.shape_cast %broadcast_in_dim3A_19 : vector<16x1xi32> to vector<16xi32>
    %gather3A_21 = tpu.dynamic_gather %get3A_3[%gather3A_20] in [0] : vector<16xi32>, vector<16xi32> -> vector<16xi32>
    %broadcast_in_dim3A_22 = arith.constant 5 : i32
    %broadcast_in_dim3A_23 = vector.broadcast %broadcast_in_dim3A_22 : i32 to vector<16x1xi32>
    %gather3A_24 = vector.shape_cast %broadcast_in_dim3A_23 : vector<16x1xi32> to vector<16xi32>
    %gather3A_25 = tpu.dynamic_gather %get3A_3[%gather3A_24] in [0] : vector<16xi32>, vector<16xi32> -> vector<16xi32>
    %broadcast_in_dim3A_26 = arith.constant 6 : i32
    %broadcast_in_dim3A_27 = vector.broadcast %broadcast_in_dim3A_26 : i32 to vector<16x1xi32>
    %gather3A_28 = vector.shape_cast %broadcast_in_dim3A_27 : vector<16x1xi32> to vector<16xi32>
    %gather3A_29 = tpu.dynamic_gather %get3A_3[%gather3A_28] in [0] : vector<16xi32>, vector<16xi32> -> vector<16xi32>
    %broadcast_in_dim3A_30 = arith.constant 7 : i32
    %broadcast_in_dim3A_31 = vector.broadcast %broadcast_in_dim3A_30 : i32 to vector<16x1xi32>
    %gather3A_32 = vector.shape_cast %broadcast_in_dim3A_31 : vector<16x1xi32> to vector<16xi32>
    %gather3A_33 = tpu.dynamic_gather %get3A_3[%gather3A_32] in [0] : vector<16xi32>, vector<16xi32> -> vector<16xi32>
    %broadcast_in_dim3A_34 = arith.constant 8 : i32
    %broadcast_in_dim3A_35 = vector.broadcast %broadcast_in_dim3A_34 : i32 to vector<16x1xi32>
    %gather3A_36 = vector.shape_cast %broadcast_in_dim3A_35 : vector<16x1xi32> to vector<16xi32>
    %gather3A_37 = tpu.dynamic_gather %get3A_3[%gather3A_36] in [0] : vector<16xi32>, vector<16xi32> -> vector<16xi32>
    %broadcast_in_dim3A_38 = arith.constant 9 : i32
    %broadcast_in_dim3A_39 = vector.broadcast %broadcast_in_dim3A_38 : i32 to vector<16x1xi32>
    %gather3A_40 = vector.shape_cast %broadcast_in_dim3A_39 : vector<16x1xi32> to vector<16xi32>
    %gather3A_41 = tpu.dynamic_gather %get3A_3[%gather3A_40] in [0] : vector<16xi32>, vector<16xi32> -> vector<16xi32>
    %broadcast_in_dim3A_42 = arith.constant 10 : i32
    %broadcast_in_dim3A_43 = vector.broadcast %broadcast_in_dim3A_42 : i32 to vector<16x1xi32>
    %gather3A_44 = vector.shape_cast %broadcast_in_dim3A_43 : vector<16x1xi32> to vector<16xi32>
    %gather3A_45 = tpu.dynamic_gather %get3A_3[%gather3A_44] in [0] : vector<16xi32>, vector<16xi32> -> vector<16xi32>
    %broadcast_in_dim3A_46 = arith.constant 11 : i32
    %broadcast_in_dim3A_47 = vector.broadcast %broadcast_in_dim3A_46 : i32 to vector<16x1xi32>
    %gather3A_48 = vector.shape_cast %broadcast_in_dim3A_47 : vector<16x1xi32> to vector<16xi32>
    %gather3A_49 = tpu.dynamic_gather %get3A_3[%gather3A_48] in [0] : vector<16xi32>, vector<16xi32> -> vector<16xi32>
    %broadcast_in_dim3A_50 = arith.constant 12 : i32
    %broadcast_in_dim3A_51 = vector.broadcast %broadcast_in_dim3A_50 : i32 to vector<16x1xi32>
    %gather3A_52 = vector.shape_cast %broadcast_in_dim3A_51 : vector<16x1xi32> to vector<16xi32>
    %gather3A_53 = tpu.dynamic_gather %get3A_3[%gather3A_52] in [0] : vector<16xi32>, vector<16xi32> -> vector<16xi32>
    %broadcast_in_dim3A_54 = arith.constant 13 : i32
    %broadcast_in_dim3A_55 = vector.broadcast %broadcast_in_dim3A_54 : i32 to vector<16x1xi32>
    %gather3A_56 = vector.shape_cast %broadcast_in_dim3A_55 : vector<16x1xi32> to vector<16xi32>
    %gather3A_57 = tpu.dynamic_gather %get3A_3[%gather3A_56] in [0] : vector<16xi32>, vector<16xi32> -> vector<16xi32>
    %broadcast_in_dim3A_58 = arith.constant 14 : i32
    %broadcast_in_dim3A_59 = vector.broadcast %broadcast_in_dim3A_58 : i32 to vector<16x1xi32>
    %gather3A_60 = vector.shape_cast %broadcast_in_dim3A_59 : vector<16x1xi32> to vector<16xi32>
    %gather3A_61 = tpu.dynamic_gather %get3A_3[%gather3A_60] in [0] : vector<16xi32>, vector<16xi32> -> vector<16xi32>
    %broadcast_in_dim3A_62 = arith.constant 15 : i32
    %broadcast_in_dim3A_63 = vector.broadcast %broadcast_in_dim3A_62 : i32 to vector<16x1xi32>
    %gather3A_64 = vector.shape_cast %broadcast_in_dim3A_63 : vector<16x1xi32> to vector<16xi32>
    %gather3A_65 = tpu.dynamic_gather %get3A_3[%gather3A_64] in [0] : vector<16xi32>, vector<16xi32> -> vector<16xi32>
    tpu.wait_dma2 semaphore(%arg8 : memref<!tpu.dma_semaphore, #tpu.memory_space<semaphore_mem>>) src(%arg3 : memref<4096xf32, #tpu.memory_space<hbm>>) dst(%arg6 : memref<4096xf32, #tpu.memory_space<vmem>>)
    %parallel_loop3A = arith.constant 0 : i32
    %parallel_loop3A_66 = arith.constant 1024 : i32
    %parallel_loop3A_67 = arith.constant 16 : i32
    scf.for %parallel_loop3A_83 = %parallel_loop3A to %parallel_loop3A_66 step %parallel_loop3A_67  : i32 {
      %parallel_loop3A_84 = arith.addi %multiple_of3A, %parallel_loop3A_83 : i32
      %parallel_loop3A_85 = vector.broadcast %parallel_loop3A_84 : i32 to vector<16xi32>
      %parallel_loop3A_86 = arith.addi %parallel_loop3A_85, %iota3A : vector<16xi32>
      %parallel_loop3A_87 = arith.cmpi sge, %parallel_loop3A_86, %gather3A_9 : vector<16xi32>
      %parallel_loop3A_88 = arith.select %parallel_loop3A_87, %gather3A_9, %gather3A_5 : vector<16xi1>, vector<16xi32>
      %parallel_loop3A_89 = arith.cmpi sge, %parallel_loop3A_86, %gather3A_13 : vector<16xi32>
      %parallel_loop3A_90 = arith.select %parallel_loop3A_89, %gather3A_13, %parallel_loop3A_88 : vector<16xi1>, vector<16xi32>
      %parallel_loop3A_91 = arith.cmpi sge, %parallel_loop3A_86, %gather3A_17 : vector<16xi32>
      %parallel_loop3A_92 = arith.select %parallel_loop3A_91, %gather3A_17, %parallel_loop3A_90 : vector<16xi1>, vector<16xi32>
      %parallel_loop3A_93 = arith.cmpi sge, %parallel_loop3A_86, %gather3A_21 : vector<16xi32>
      %parallel_loop3A_94 = arith.select %parallel_loop3A_93, %gather3A_21, %parallel_loop3A_92 : vector<16xi1>, vector<16xi32>
      %parallel_loop3A_95 = arith.cmpi sge, %parallel_loop3A_86, %gather3A_25 : vector<16xi32>
      %parallel_loop3A_96 = arith.select %parallel_loop3A_95, %gather3A_25, %parallel_loop3A_94 : vector<16xi1>, vector<16xi32>
      %parallel_loop3A_97 = arith.cmpi sge, %parallel_loop3A_86, %gather3A_29 : vector<16xi32>
      %parallel_loop3A_98 = arith.select %parallel_loop3A_97, %gather3A_29, %parallel_loop3A_96 : vector<16xi1>, vector<16xi32>
      %parallel_loop3A_99 = arith.cmpi sge, %parallel_loop3A_86, %gather3A_33 : vector<16xi32>
      %parallel_loop3A_100 = arith.select %parallel_loop3A_99, %gather3A_33, %parallel_loop3A_98 : vector<16xi1>, vector<16xi32>
      %parallel_loop3A_101 = arith.cmpi sge, %parallel_loop3A_86, %gather3A_37 : vector<16xi32>
      %parallel_loop3A_102 = arith.select %parallel_loop3A_101, %gather3A_37, %parallel_loop3A_100 : vector<16xi1>, vector<16xi32>
      %parallel_loop3A_103 = arith.cmpi sge, %parallel_loop3A_86, %gather3A_41 : vector<16xi32>
      %parallel_loop3A_104 = arith.select %parallel_loop3A_103, %gather3A_41, %parallel_loop3A_102 : vector<16xi1>, vector<16xi32>
      %parallel_loop3A_105 = arith.cmpi sge, %parallel_loop3A_86, %gather3A_45 : vector<16xi32>
      %parallel_loop3A_106 = arith.select %parallel_loop3A_105, %gather3A_45, %parallel_loop3A_104 : vector<16xi1>, vector<16xi32>
      %parallel_loop3A_107 = arith.cmpi sge, %parallel_loop3A_86, %gather3A_49 : vector<16xi32>
      %parallel_loop3A_108 = arith.select %parallel_loop3A_107, %gather3A_49, %parallel_loop3A_106 : vector<16xi1>, vector<16xi32>
      %parallel_loop3A_109 = arith.cmpi sge, %parallel_loop3A_86, %gather3A_53 : vector<16xi32>
      %parallel_loop3A_110 = arith.select %parallel_loop3A_109, %gather3A_53, %parallel_loop3A_108 : vector<16xi1>, vector<16xi32>
      %parallel_loop3A_111 = arith.cmpi sge, %parallel_loop3A_86, %gather3A_57 : vector<16xi32>
      %parallel_loop3A_112 = arith.select %parallel_loop3A_111, %gather3A_57, %parallel_loop3A_110 : vector<16xi1>, vector<16xi32>
      %parallel_loop3A_113 = arith.cmpi sge, %parallel_loop3A_86, %gather3A_61 : vector<16xi32>
      %parallel_loop3A_114 = arith.select %parallel_loop3A_113, %gather3A_61, %parallel_loop3A_112 : vector<16xi1>, vector<16xi32>
      %parallel_loop3A_115 = arith.cmpi sge, %parallel_loop3A_86, %gather3A_65 : vector<16xi32>
      %parallel_loop3A_116 = arith.select %parallel_loop3A_115, %gather3A_65, %parallel_loop3A_114 : vector<16xi1>, vector<16xi32>
      %parallel_loop3A_117 = tpu.assume_multiple %parallel_loop3A_83, 16 : i32
      %parallel_loop3A_118 = arith.subi %parallel_loop3A_86, %parallel_loop3A_116 : vector<16xi32>
      %parallel_loop3A_119 = tpu.vector_load_idx %arg6[%parallel_loop3A_118] : memref<4096xf32, #tpu.memory_space<vmem>>[vector<16xi32>], vector<16xf32>,
      %parallel_loop3A_120 = arith.index_cast %parallel_loop3A_117 : i32 to index
      %parallel_loop3A_121 = tpu.vector_load %arg7[%parallel_loop3A_120] {strides = array<i32>} : memref<2048xf32, #tpu.memory_space<vmem>>, vector<16xf32>,
      tpu.vector_store %arg7[%parallel_loop3A_120], %parallel_loop3A_119 {strides = array<i32>} : memref<2048xf32, #tpu.memory_space<vmem>>, vector<16xf32>,
    } {sc.loop_unroll_factor = 1 : i64, sc.parallel_access}
    %dma_start3A = arith.constant 0 : i32
    %dma_start3A_68 = tpu.memref_slice %arg7[%dma_start3A] : memref<2048xf32, #tpu.memory_space<vmem>> -> memref<1024xf32, #tpu.memory_space<vmem>>
    %dma_start3A_69 = tpu.memref_slice %arg4[%multiple_of3A] : memref<32768xf32, #tpu.memory_space<hbm>> -> memref<1024xf32, #tpu.memory_space<hbm>>
    %dma_start3A_70 = tpu.memref_slice %arg4[%multiple_of3A] : memref<32768xf32, #tpu.memory_space<hbm>> -> memref<1024xf32, #tpu.memory_space<hbm>>
    %dma_start3A_71 = arith.constant 0 : i32
    %dma_start3A_72 = tpu.memref_slice %arg7[%dma_start3A_71] : memref<2048xf32, #tpu.memory_space<vmem>> -> memref<1024xf32, #tpu.memory_space<vmem>>
    tpu.enqueue_dma source(%dma_start3A_72 : memref<1024xf32, #tpu.memory_space<vmem>>) target(%dma_start3A_70 : memref<1024xf32, #tpu.memory_space<hbm>>) target_semaphore(%arg8 : memref<!tpu.dma_semaphore, #tpu.memory_space<semaphore_mem>>)
    %parallel_loop3A_73 = arith.constant 1024 : i32
    %parallel_loop3A_74 = arith.constant 2048 : i32
    %parallel_loop3A_75 = arith.constant 16 : i32
    scf.for %parallel_loop3A_83 = %parallel_loop3A_73 to %parallel_loop3A_74 step %parallel_loop3A_75  : i32 {
      %parallel_loop3A_84 = arith.addi %multiple_of3A, %parallel_loop3A_83 : i32
      %parallel_loop3A_85 = vector.broadcast %parallel_loop3A_84 : i32 to vector<16xi32>
      %parallel_loop3A_86 = arith.addi %parallel_loop3A_85, %iota3A : vector<16xi32>
      %parallel_loop3A_87 = arith.cmpi sge, %parallel_loop3A_86, %gather3A_9 : vector<16xi32>
      %parallel_loop3A_88 = arith.select %parallel_loop3A_87, %gather3A_9, %gather3A_5 : vector<16xi1>, vector<16xi32>
      %parallel_loop3A_89 = arith.cmpi sge, %parallel_loop3A_86, %gather3A_13 : vector<16xi32>
      %parallel_loop3A_90 = arith.select %parallel_loop3A_89, %gather3A_13, %parallel_loop3A_88 : vector<16xi1>, vector<16xi32>
      %parallel_loop3A_91 = arith.cmpi sge, %parallel_loop3A_86, %gather3A_17 : vector<16xi32>
      %parallel_loop3A_92 = arith.select %parallel_loop3A_91, %gather3A_17, %parallel_loop3A_90 : vector<16xi1>, vector<16xi32>
      %parallel_loop3A_93 = arith.cmpi sge, %parallel_loop3A_86, %gather3A_21 : vector<16xi32>
      %parallel_loop3A_94 = arith.select %parallel_loop3A_93, %gather3A_21, %parallel_loop3A_92 : vector<16xi1>, vector<16xi32>
      %parallel_loop3A_95 = arith.cmpi sge, %parallel_loop3A_86, %gather3A_25 : vector<16xi32>
      %parallel_loop3A_96 = arith.select %parallel_loop3A_95, %gather3A_25, %parallel_loop3A_94 : vector<16xi1>, vector<16xi32>
      %parallel_loop3A_97 = arith.cmpi sge, %parallel_loop3A_86, %gather3A_29 : vector<16xi32>
      %parallel_loop3A_98 = arith.select %parallel_loop3A_97, %gather3A_29, %parallel_loop3A_96 : vector<16xi1>, vector<16xi32>
      %parallel_loop3A_99 = arith.cmpi sge, %parallel_loop3A_86, %gather3A_33 : vector<16xi32>
      %parallel_loop3A_100 = arith.select %parallel_loop3A_99, %gather3A_33, %parallel_loop3A_98 : vector<16xi1>, vector<16xi32>
      %parallel_loop3A_101 = arith.cmpi sge, %parallel_loop3A_86, %gather3A_37 : vector<16xi32>
      %parallel_loop3A_102 = arith.select %parallel_loop3A_101, %gather3A_37, %parallel_loop3A_100 : vector<16xi1>, vector<16xi32>
      %parallel_loop3A_103 = arith.cmpi sge, %parallel_loop3A_86, %gather3A_41 : vector<16xi32>
      %parallel_loop3A_104 = arith.select %parallel_loop3A_103, %gather3A_41, %parallel_loop3A_102 : vector<16xi1>, vector<16xi32>
      %parallel_loop3A_105 = arith.cmpi sge, %parallel_loop3A_86, %gather3A_45 : vector<16xi32>
      %parallel_loop3A_106 = arith.select %parallel_loop3A_105, %gather3A_45, %parallel_loop3A_104 : vector<16xi1>, vector<16xi32>
      %parallel_loop3A_107 = arith.cmpi sge, %parallel_loop3A_86, %gather3A_49 : vector<16xi32>
      %parallel_loop3A_108 = arith.select %parallel_loop3A_107, %gather3A_49, %parallel_loop3A_106 : vector<16xi1>, vector<16xi32>
      %parallel_loop3A_109 = arith.cmpi sge, %parallel_loop3A_86, %gather3A_53 : vector<16xi32>
      %parallel_loop3A_110 = arith.select %parallel_loop3A_109, %gather3A_53, %parallel_loop3A_108 : vector<16xi1>, vector<16xi32>
      %parallel_loop3A_111 = arith.cmpi sge, %parallel_loop3A_86, %gather3A_57 : vector<16xi32>
      %parallel_loop3A_112 = arith.select %parallel_loop3A_111, %gather3A_57, %parallel_loop3A_110 : vector<16xi1>, vector<16xi32>
      %parallel_loop3A_113 = arith.cmpi sge, %parallel_loop3A_86, %gather3A_61 : vector<16xi32>
      %parallel_loop3A_114 = arith.select %parallel_loop3A_113, %gather3A_61, %parallel_loop3A_112 : vector<16xi1>, vector<16xi32>
      %parallel_loop3A_115 = arith.cmpi sge, %parallel_loop3A_86, %gather3A_65 : vector<16xi32>
      %parallel_loop3A_116 = arith.select %parallel_loop3A_115, %gather3A_65, %parallel_loop3A_114 : vector<16xi1>, vector<16xi32>
      %parallel_loop3A_117 = tpu.assume_multiple %parallel_loop3A_83, 16 : i32
      %parallel_loop3A_118 = arith.subi %parallel_loop3A_86, %parallel_loop3A_116 : vector<16xi32>
      %parallel_loop3A_119 = tpu.vector_load_idx %arg6[%parallel_loop3A_118] : memref<4096xf32, #tpu.memory_space<vmem>>[vector<16xi32>], vector<16xf32>,
      %parallel_loop3A_120 = arith.index_cast %parallel_loop3A_117 : i32 to index
      %parallel_loop3A_121 = tpu.vector_load %arg7[%parallel_loop3A_120] {strides = array<i32>} : memref<2048xf32, #tpu.memory_space<vmem>>, vector<16xf32>,
      tpu.vector_store %arg7[%parallel_loop3A_120], %parallel_loop3A_119 {strides = array<i32>} : memref<2048xf32, #tpu.memory_space<vmem>>, vector<16xf32>,
    } {sc.loop_unroll_factor = 1 : i64, sc.parallel_access}
    %add3A_76 = arith.constant 1024 : i32
    %add3A_77 = arith.addi %multiple_of3A, %add3A_76 : i32
    "tpu.region"() ({
      %run_scoped3A = tpu.sem_alloc : memref<!tpu.dma_semaphore, #tpu.memory_space<semaphore_mem>>
      %dma_start3A_83 = arith.constant 1024 : i32
      %dma_start3A_84 = tpu.memref_slice %arg7[%dma_start3A_83] : memref<2048xf32, #tpu.memory_space<vmem>> -> memref<1024xf32, #tpu.memory_space<vmem>>
      %dma_start3A_85 = tpu.memref_slice %arg4[%add3A_77] : memref<32768xf32, #tpu.memory_space<hbm>> -> memref<1024xf32, #tpu.memory_space<hbm>>
      %dma_start3A_86 = tpu.memref_slice %arg4[%add3A_77] : memref<32768xf32, #tpu.memory_space<hbm>> -> memref<1024xf32, #tpu.memory_space<hbm>>
      %dma_start3A_87 = arith.constant 1024 : i32
      %dma_start3A_88 = tpu.memref_slice %arg7[%dma_start3A_87] : memref<2048xf32, #tpu.memory_space<vmem>> -> memref<1024xf32, #tpu.memory_space<vmem>>
      tpu.enqueue_dma source(%dma_start3A_88 : memref<1024xf32, #tpu.memory_space<vmem>>) target(%dma_start3A_86 : memref<1024xf32, #tpu.memory_space<hbm>>) target_semaphore(%run_scoped3A : memref<!tpu.dma_semaphore, #tpu.memory_space<semaphore_mem>>)
      %dma_wait3A_89 = arith.constant 1024 : i32
      %dma_wait3A_90 = tpu.memref_slice %arg7[%dma_wait3A_89] : memref<2048xf32, #tpu.memory_space<vmem>> -> memref<1024xf32, #tpu.memory_space<vmem>>
      %dma_wait3A_91 = tpu.memref_slice %arg4[%add3A_77] : memref<32768xf32, #tpu.memory_space<hbm>> -> memref<1024xf32, #tpu.memory_space<hbm>>
      %dma_wait3A_92 = tpu.memref_slice %arg4[%add3A_77] : memref<32768xf32, #tpu.memory_space<hbm>> -> memref<1024xf32, #tpu.memory_space<hbm>>
      %dma_wait3A_93 = arith.constant 1024 : i32
      %dma_wait3A_94 = tpu.memref_slice %arg7[%dma_wait3A_93] : memref<2048xf32, #tpu.memory_space<vmem>> -> memref<1024xf32, #tpu.memory_space<vmem>>
      tpu.wait_dma2 semaphore(%run_scoped3A : memref<!tpu.dma_semaphore, #tpu.memory_space<semaphore_mem>>) src(%dma_wait3A_94 : memref<1024xf32, #tpu.memory_space<vmem>>) dst(%dma_wait3A_92 : memref<1024xf32, #tpu.memory_space<hbm>>)
      tpu.yield
    }) : () -> ()
    %dma_wait3A = arith.constant 0 : i32
    %dma_wait3A_78 = tpu.memref_slice %arg7[%dma_wait3A] : memref<2048xf32, #tpu.memory_space<vmem>> -> memref<1024xf32, #tpu.memory_space<vmem>>
    %dma_wait3A_79 = tpu.memref_slice %arg4[%multiple_of3A] : memref<32768xf32, #tpu.memory_space<hbm>> -> memref<1024xf32, #tpu.memory_space<hbm>>
    %dma_wait3A_80 = tpu.memref_slice %arg4[%multiple_of3A] : memref<32768xf32, #tpu.memory_space<hbm>> -> memref<1024xf32, #tpu.memory_space<hbm>>
    %dma_wait3A_81 = arith.constant 0 : i32
    %dma_wait3A_82 = tpu.memref_slice %arg7[%dma_wait3A_81] : memref<2048xf32, #tpu.memory_space<vmem>> -> memref<1024xf32, #tpu.memory_space<vmem>>
    tpu.wait_dma2 semaphore(%arg8 : memref<!tpu.dma_semaphore, #tpu.memory_space<semaphore_mem>>) src(%dma_wait3A_82 : memref<1024xf32, #tpu.memory_space<vmem>>) dst(%dma_wait3A_80 : memref<1024xf32, #tpu.memory_space<hbm>>)
    return
  }
}

</mosaic_0001>

<sc_bundles>
// kernel: kernel.3.cloned.1.call-start
scs
__scs_entry_jumppad:
0x0: {  	(pc) =	sbr.rel $0x88, $3  }
0x1: {  	(tag) =	ssettag $0x0;
	lr =	simm.s32 $0x1  }
0x2: {  	[smem:$0x3F9F] =	sst lr;
	_ =	strace $0xD0000000  }
0x3: {  	_ = 	snop  }
0x4: {  	_ = 	snop  }
0x5: {  	_ = 	snop  }
0x6: {  	_ = 	snop  }
0x7: {  	_ = 	snop  }
__scs_overlays_trampoline_lowered:
0x8: {  	[smem:$0x3FAE] =	sst s0  }
0x9: {  	[smem:$0x3FAF] =	sst s1  }
0xa: {  	[smem:$0x3FB0] =	sst s2  }
0xb: {  	[smem:$0x3FB1] =	sst s3  }
0xc: {  	[smem:$0x3FB2] =	sst s4  }
0xd: {  	[smem:$0x3FB3] =	sst s5  }
0xe: {  	[smem:$0x3FB4] =	sst s6  }
0xf: {  	[smem:$0x3FB5] =	sst s7  }
0x10: {  	[smem:$0x3FB6] =	sst s8  }
0x11: {  	[smem:$0x3FB7] =	sst s9;
	s0 =	simm.s32 @!p0 $0x0  }
0x12: {  	s1 =	sld [smem:$0x3F9D];
	s0 =	simm.s32 @p0 $0x1  }
0x13: {  	[smem:$0x3FB8] =	sst s0;
	s0 =	simm.s32 @!p1 $0x0  }
0x14: {  	s2 =	sld [smem:$0x3F9C];
	s0 =	simm.s32 @p1 $0x1  }
0x15: {  	[smem:$0x3FB9] =	sst s0;
	s0 =	simm.s32 @!p2 $0x0  }
0x16: {  	s3 =	sld [smem:$0x3FDB];
	s0 =	simm.s32 @p2 $0x1  }
0x17: {  	s4 =	simm.s32 $0x1BF5;
	[smem:$0x3FBB] =	sst s0  }
0x18: {  	s0 =	sld [smem:$0x3F9E];
	_ =	swait.ge [sflag:s4], $0x0  }
0x19: {  	s7 =	sld [smem:$0x3F9F]  }
0x1a: {  	s8 =	sadd.s32 $0xFFFFE003, lr  }
0x1b: {  	s9 =	sadd.s32 $0xFFFFFEF7, lr;
	s5 =	simm.s32 $0xFFFFFFFF;
	p2 =	slt.u32 s8, $0xFFFFF086  }
0x1c: {  	p1 =	slt.u32 s9, $0xF7A;
	s5 =	simm.s32 @!p2 $0x0  }
0x1d: {  	s5 =	simm.s32 @p1 $0x1;
	p0 =	seq.s32 s7, s2  }
0x1e: {  	s7 =	smul.u32 @!p0 $0xF7A, s2;
	p2 =	seq.s32 @!p0 s5, $0x0  }
0x1f: {  	s9 =	smul.u32 $0xF7A, s1;
	s8 =	simm.s32 @!p0 $0x1BF5;
	p2 =	por !p2, p0  }
0x20: {  	[sflag:s8] =	ssyncset.s32 @!p0 $0xFFFFF086;
	s6 =	sadd.s32 @!p0 s3, s7;
	s7 =	simm.s32 @!p0 $0x108  }
0x21: {  	s3 =	sadd.s32 s3, s9;
	s6 =	sadd.s32 @!p0 $0x88, s6;
	s7 =	simm.s32 @p2 $0x1082  }
0x22: {  	[simem:s7], [sflag:s8] =	dma.local @!p0 [hbm:s6], $0xF7A  }
0x23: {  	s9 =	sor.u32 $0xD0000000, s2;
	s6 =	simm.s32 $0x108;
	_ =	swait.ge @!p0 [sflag:s8], $0x0  }
0x24: {  	s3 =	sadd.s32 $0x88, s3;
	s6 =	simm.s32 @!p1 $0x1082;
	[sflag:s4] =	ssyncset.s32 $0xFFFFF086  }
0x25: {  	[simem:s6], [sflag:s4] =	dma.local [hbm:s3], $0xF7A  }
0x26: {  	[smem:$0x3F9F] =	sst s1;
	(tag) =	ssettag s2;
	_ =	strace s9  }
0x27: {  	s1 =	sld [smem:$0x3FAF]  }
0x28: {  	s2 =	sld [smem:$0x3FB0]  }
0x29: {  	s4 =	sld [smem:$0x3FB2]  }
0x2a: {  	p0 =	seq.s32 s5, $0x0;
	s5 =	sld [smem:$0x3FB3]  }
0x2b: {  	s6 =	sld [smem:$0x3FB4]  }
0x2c: {  	s7 =	sld [smem:$0x3FB5]  }
0x2d: {  	s3 =	simm.s32 $0x108;
	s8 =	sld [smem:$0x3FB6]  }
0x2e: {  	s3 =	simm.s32 @!p0 $0x1082;
	s9 =	sld [smem:$0x3FB7]  }
0x2f: {  	lr =	sadd.s32 s0, s3;
	s0 =	sld [smem:$0x3FAE]  }
0x30: {  	s3 =	sld [smem:$0x3FB1]  }
0x31: {  	[smem:$0x3FBA] =	sst s10  }
0x32: {  	s10 =	sld [smem:$0x3FB8];
	_ =	sdelay $0x3  }
0x33: {  	p0 =	seq.s32 s10, $0x1;
	s10 =	sld [smem:$0x3FBA];
	_ =	sdelay $0x3  }
0x34: {  	[smem:$0x3FBA] =	sst s10  }
0x35: {  	s10 =	sld [smem:$0x3FB9];
	_ =	sdelay $0x3  }
0x36: {  	p1 =	seq.s32 s10, $0x1;
	s10 =	sld [smem:$0x3FBA];
	_ =	sdelay $0x3  }
0x37: {  	[smem:$0x3FBA] =	sst s10  }
0x38: {  	s10 =	sld [smem:$0x3FBB]  }
0x39: {  	_ = 	snop;
	(pc) =	sbr.ind lr, $3  }
0x3a: {  	_ = 	snop  }
0x3b: {  	_ = 	snop  }
0x3c: {  	p2 =	seq.s32 s10, $0x1;
	s10 =	sld [smem:$0x3FBA]  }
0x3d: {  	_ =	shalt  }
0x3e: {  	_ =	shalt  }
0x3f: {  	_ =	shalt  }
0x40: {  	_ =	shalt  }
0x41: {  	_ =	shalt  }
0x42: {  	_ =	shalt  }
0x43: {  	_ =	shalt  }
0x44: {  	_ =	shalt  }
0x45: {  	_ =	shalt  }
0x46: {  	_ =	shalt  }
0x47: {  	_ =	shalt  }
0x48: {  	_ =	shalt  }
0x49: {  	_ =	shalt  }
0x4a: {  	_ =	shalt  }
0x4b: {  	_ =	shalt  }
0x4c: {  	_ =	shalt  }
0x4d: {  	_ =	shalt  }
0x4e: {  	_ =	shalt  }
0x4f: {  	_ =	shalt  }
0x50: {  	_ =	shalt  }
0x51: {  	_ =	shalt  }
0x52: {  	_ =	shalt  }
0x53: {  	_ =	shalt  }
0x54: {  	_ =	shalt  }
0x55: {  	_ =	shalt  }
0x56: {  	_ =	shalt  }
0x57: {  	_ =	shalt  }
0x58: {  	_ =	shalt  }
0x59: {  	_ =	shalt  }
0x5a: {  	_ =	shalt  }
0x5b: {  	_ =	shalt  }
0x5c: {  	_ =	shalt  }
0x5d: {  	_ =	shalt  }
0x5e: {  	_ =	shalt  }
0x5f: {  	_ =	shalt  }
0x60: {  	_ =	shalt  }
0x61: {  	_ =	shalt  }
0x62: {  	_ =	shalt  }
0x63: {  	_ =	shalt  }
0x64: {  	_ =	shalt  }
0x65: {  	_ =	shalt  }
0x66: {  	_ =	shalt  }
0x67: {  	_ =	shalt  }
0x68: {  	_ =	shalt  }
0x69: {  	_ =	shalt  }
0x6a: {  	_ =	shalt  }
0x6b: {  	_ =	shalt  }
0x6c: {  	_ =	shalt  }
0x6d: {  	_ =	shalt  }
0x6e: {  	_ =	shalt  }
0x6f: {  	_ =	shalt  }
0x70: {  	_ =	shalt  }
0x71: {  	_ =	shalt  }
0x72: {  	_ =	shalt  }
0x73: {  	_ =	shalt  }
0x74: {  	_ =	shalt  }
0x75: {  	_ =	shalt  }
0x76: {  	_ =	shalt  }
0x77: {  	_ =	shalt  }
0x78: {  	_ =	shalt  }
0x79: {  	_ =	shalt  }
0x7a: {  	_ =	shalt  }
0x7b: {  	_ =	shalt  }
0x7c: {  	_ =	shalt  }
0x7d: {  	_ =	shalt  }
0x7e: {  	_ =	shalt  }
0x7f: {  	_ =	shalt  }
0x80: {  	_ =	shalt  }
0x81: {  	_ =	shalt  }
0x82: {  	_ =	shalt  }
0x83: {  	_ =	shalt  }
0x84: {  	_ =	shalt  }
0x85: {  	_ =	shalt  }
0x86: {  	_ =	shalt  }
0x87: {  	_ =	shalt  }
.Lfunc_end0:
.L_simem_size_0:
called_computation_lowered:
.L_overlay_start_0:
0x88: {  	s0 =	sld [smem:$0x3FD9]  }
0x89: {  	s1 =	sld [smem:$0x3FFE];
	_ =	sdelay $0x3  }
0x8a: {  	s0 =	sadd.s32 s1, s0  }
0x8b: {  	[smem:$0x3FC6] =	sst s0  }
0x8c: {  	_ = 	snop  }
0x8d: {  	s0 =	sld [smem:$0x3FC9]  }
0x8e: {  	s17 =	sld [smem:$0x3FC8]  }
0x8f: {  	s2 =	sld [smem:$0x3FD0];
	(tm) =	ssettm $0x1  }
0x90: {  	s3 =	sld [smem:$0x3FFB];
	_ =	sdelay $0x3  }
0x91: {  	_ =	strace s3  }
0x92: {  	s3 =	sld [smem:$0x3FFC];
	_ =	sdelay $0x3  }
0x93: {  	_ =	strace s3  }
0x94: {  	s3 =	sld [smem:$0x3FFD];
	_ =	sdelay $0x3  }
0x95: {  	_ =	strace s3  }
0x96: {  	_ =	strace $0x8FFFFFFF  }
0x97: {  	s18 =	sld [smem:$0x3FDB];
	_ =	sdelay $0x1  }
0x98: {  	s4 =	simm.s32 $_scs_section_size  }
0x99: {  	s5 =	simm.s32 $_size__tile_overlayer_lowered;
	s6 =	simm.s32 $_tile_overlayer_lowered  }
0x9a: {  	s21 =	simm.s32 $0x1BFF;
	s20 =	sshll.u32 s6, $0x1;
	s3 =	sadd.s32 s4, s18  }
0x9b: {  	s7 =	simm.s32 $0x0;
	s19 =	sshll.u32 s5, $0x1;
	s5 =	sadd.s32 s20, s3  }
0x9c: {  	[timem:s7], [sflag:s21] =	dma.local [hbm:s5], s19  }
0x9d: {  	_ =	swait.ge [sflag:s21], s19  }
0x9e: {  	s4 =	ssub.s32 $0x0, s19;
	[sflag:s21] =	ssyncset.done $0x0  }
0x9f: {  	[sflag:s21] =	ssyncadd.s32 s4;
	_ =	sdelay $0x1  }
0xa0: {  	s22 =	simm.s32 $0x1B8B  }
0xa1: {  	_ =	swait.ge [sflag:s22], $0x1  }
0xa2: {  	[sflag:s22] =	ssyncset.done $0x0  }
0xa3: {  	s23 =	simm.s32 $0x1B8E;
	[sflag:s22] =	ssyncadd.s32 $0xFFFFFFFF  }
0xa4: {  	s24 =	simm.s32 $execute0_lowered;
	[smem:$0x3FD2] =	sst s23  }
0xa5: {  	s4 =	sshll.u32 s24, $0x1;
	_ =	strace $0x80000046;
	[dreg:$0x1] =	wrdreg $0xFFFFFFFF  }
0xa6: {  	s25 =	simm.s32 $_size_execute0_lowered;
	s3 =	sadd.s32 s3, s4;
	[dreg:$0x0] =	wrdreg $0x0  }
0xa7: {  	s4 =	sshll.u32 s25, $0x1;
	[dreg:$0x2] =	wrdreg s3  }
0xa8: {  	[dreg:$0x3] =	wrdreg s4  }
0xa9: {  	[dreg:$0x4] =	wrdreg $0xC0  }
0xaa: {  	_ =	task [dreg:s7], $0x5FFFF  }
0xab: {  	[dreg:$0x1] =	wrdreg $0xFFFFFFFF  }
0xac: {  	[dreg:$0x0] =	wrdreg $0x60  }
0xad: {  	[dreg:$0x2] =	wrdreg s0  }
0xae: {  	[dreg:$0x3] =	wrdreg s17  }
0xaf: {  	[dreg:$0x4] =	wrdreg s2  }
0xb0: {  	[dreg:$0x5] =	wrdreg $0x9  }
0xb1: {  	_ =	task.clear_ibuf [dreg:s7], $0x6FFFF;
	_ =	strace $0x90000046  }
0xb2: {  	s26 =	simm.s32 $0x9;
	_ =	strace $0x80000048  }
0xb3: {  	_ =	swait.ge [sflag:s26], $0x1  }
0xb4: {  	[sflag:s26] =	ssyncadd.s32 $0xFFFFFFFF  }
0xb5: {  	_ =	strace $0x90000048  }
0xb6: {  	_ =	sfence  }
0xb7: {  	s28 =	sld [smem:$0x0];
	_ =	sdelay $0x1  }
0xb8: {  	s29 =	srdreg.scid  }
0xb9: {  	s30 =	sshll.u32 s29, $0xD;
	s31 =	sshrl.u32 s29, $0x2  }
0xba: {  	s1 =	sand.u32 $0x1, s29;
	s2 =	sand.u32 $0x4000, s30;
	s0 =	sadd.s32 s31, s28  }
0xbb: {  	s1 =	sor.u32 s2, s1;
	s0 =	sshll.u32 s0, $0x11  }
0xbc: {  	s0 =	sor.u32 s0, s1  }
0xbd: {  	s0 =	sadd.s32 $0x8F2B, s0  }
0xbe: {  	[sflag:s0] =	ssyncadd.remote.s32 $0x1  }
0xbf: {  	_ =	sfence.sel $0xFFFF  }
0xc0: {  	[dreg:$0x0] =	wrdreg $0xFFFFFFFF;
	(pc) =	sbr.abs _section_cstart, $3  }
0xc1: {  	[dreg:$0x1] =	wrdreg $0xFFFFFFFF  }
0xc2: {  	_ =	task.clear_ibuf [dreg:s7], $0x2FFFF;
	_ =	strace $0x9FFFFFFF  }
0xc3: {  	(tm) =	ssettm $0x7FFFFFFF  }
tec
execute0_lowered:
.L_overlay_start_1:
0x0: {  	(tag) =	ssettag $0x1  }
0x1: {  	s2 =	rddreg [dreg:$0x0]  }
0x2: {  	s4 =	rddreg [dreg:$0x1]  }
0x3: {  	s1 =	rddreg [dreg:$0x2];
	s5 =	simm.s32 $0x0  }
0x4: {  	[smem:$0x7FF] =	sst s5  }
0x5: {  	s0 =	rddreg [dreg:$0x3];
	s3 =	simm.s32 $0x80;
	_ =	strace $0x80000047  }
0x6: {  	[tilespmem:s3], [sflag:$0x1] =	stream.linear.gather [hbm4b:s4+s5], $0x1000, $0x38;
	[tilespmem:$0x1880] =	vst v63  }
0x7: {  	s26 =	simm.s32 $0x2  }
0x8: {  	[tilespmem:s5], [sflag:$0x2] =	stream.linear.gather [hbm4b:s2+s5], $0x80, $0x38;
	[tilespmem:$0x1880] =	vst v63  }
0x9: {  	_ =	swait.ge [sflag:s26], $0x80  }
0xa: {  	[sflag:s26] =	ssyncset.done $0x0  }
0xb: {  	[sflag:s26] =	ssyncadd.s32 $0xFFFFFF80  }
0xc: {  	v15 =	vld [tilespmem:$0x0]  }
0xd: {  	v0 =	vimm.s32 $0x0  }
0xe: {  	v1 =	vimm.s32 $0x1;
	v2 =	vimm.s32 $0x2;
	v3 =	vimm.s32 $0x3  }
0xf: {  	v4 =	vimm.s32 $0x4;
	v6 =	vimm.s32 $0x5;
	v7 =	vimm.s32 $0x7  }
0x10: {  	v8 =	vimm.s32 $0x8;
	v10 =	vimm.s32 $0xA;
	v16 =	vlaneseq.u32;
	s2 =	stileid.u32  }
0x11: {  	v11 =	vimm.s32 $0xB;
	v12 =	vimm.s32 $0xC;
	s4 =	sshll.u32 s2, $0xB;
	v0 =	vperm.xlane v15, v0  }
0x12: {  	v14 =	vimm.s32 $0xD;
	s28 =	sadd.s32 $0x0, s4;
	v1 =	vperm.xlane v15, v1;
	v2 =	vperm.xlane v15, v2  }
0x13: {  	v17 =	vor.u32 s28, v16;
	v3 =	vperm.xlane v15, v3;
	v5 =	vperm.xlane v15, v4  }
0x14: {  	v4 =	vperm.xlane v15, v6;
	v6 =	vimm.s32 $0x6;
	v9 =	vperm.xlane v15, v7  }
0x15: {  	v7 =	vperm.xlane v15, v8;
	v8 =	vimm.s32 $0x9;
	v10 =	vperm.xlane v15, v10  }
0x16: {  	v11 =	vperm.xlane v15, v11;
	v12 =	vperm.xlane v15, v12;
	vm0 =	vlt.s32 v17, v1  }
0x17: {  	v6 =	vperm.xlane v15, v6;
	v13 =	vsel vm0, v0, v1;
	vm0 =	vlt.s32 v17, v2  }
0x18: {  	v8 =	vperm.xlane v15, v8;
	v18 =	vsel vm0, v13, v2;
	vm0 =	vlt.s32 v17, v3  }
0x19: {  	v13 =	vperm.xlane v15, v14;
	v14 =	vsel vm0, v18, v3;
	vm0 =	vlt.s32 v17, v5  }
0x1a: {  	v18 =	vimm.s32 $0xE;
	v19 =	vsel vm0, v14, v5;
	vm0 =	vlt.s32 v17, v4  }
0x1b: {  	v14 =	vperm.xlane v15, v18;
	v18 =	vsel vm0, v19, v4;
	vm0 =	vlt.s32 v17, v6  }
0x1c: {  	s29 =	sadd.s32 $0x10, s4;
	vm3 =	vlt.s32 v17, v13;
	v19 =	vimm.s32 $0xF;
	v18 =	vsel vm0, v18, v6  }
0x1d: {  	vm0 =	vlt.s32 v17, v9;
	v15 =	vperm.xlane v15, v19;
	v19 =	vor.u32 s29, v16  }
0x1e: {  	vm2 =	vlt.s32 v17, v14;
	v18 =	vsel vm0, v18, v9;
	vm0 =	vlt.s32 v17, v7  }
0x1f: {  	vm4 =	vlt.s32 v19, v1;
	v18 =	vsel vm0, v18, v7;
	vm0 =	vlt.s32 v17, v8  }
0x20: {  	vm13 =	vlt.s32 v19, v2;
	v18 =	vsel vm0, v18, v8;
	vm0 =	vlt.s32 v17, v10  }
0x21: {  	vm1 =	vlt.s32 v17, v15;
	v18 =	vsel vm0, v18, v10;
	vm0 =	vlt.s32 v17, v11  }
0x22: {  	v20 =	vsel vm4, v0, v1;
	v18 =	vsel vm0, v18, v11;
	vm0 =	vlt.s32 v17, v12  }
0x23: {  	v20 =	vsel vm13, v20, v2;
	v18 =	vsel vm0, v18, v12;
	vm0 =	vlt.s32 v19, v3  }
0x24: {  	v18 =	vsel vm3, v18, v13;
	v20 =	vsel vm0, v20, v3;
	vm0 =	vlt.s32 v19, v5  }
0x25: {  	v18 =	vsel vm2, v18, v14;
	v20 =	vsel vm0, v20, v5;
	vm0 =	vlt.s32 v19, v4  }
0x26: {  	v18 =	vsel vm1, v18, v15;
	v20 =	vsel vm0, v20, v4;
	vm0 =	vlt.s32 v19, v6  }
0x27: {  	v18 =	vsub.s32 v17, v18;
	v20 =	vsel vm0, v20, v6;
	vm0 =	vlt.s32 v19, v9  }
0x28: {  	s31 =	simm.s32 $0x1;
	vm3 =	vlt.s32 v19, v13;
	v20 =	vsel vm0, v20, v9;
	vm0 =	vlt.s32 v19, v7  }
0x29: {  	_ =	swait.ge [sflag:s31], $0x1000;
	vm2 =	vlt.s32 v19, v14;
	v20 =	vsel vm0, v20, v7;
	vm0 =	vlt.s32 v19, v8  }
0x2a: {  	s30 =	sadd.s32 $0x20, s4;
	[sflag:s31] =	ssyncset.done $0x0;
	vm1 =	vlt.s32 v19, v15;
	v20 =	vsel vm0, v20, v8;
	vm0 =	vlt.s32 v19, v10  }
0x2b: {  	[sflag:s31] =	ssyncadd.s32 $0xFFFFF000;
	v17 =	vor.u32 s30, v16;
	v20 =	vsel vm0, v20, v10;
	vm0 =	vlt.s32 v19, v11  }
0x2c: {  	vm14 =	vlt.s32 v17, v1;
	v20 =	vsel vm0, v20, v11;
	vm0 =	vlt.s32 v19, v12;
	v18 =	vld.idx.msk [tilespmem:v18+s3+$0x0], $0xffff  }
0x2d: {  	vm15 =	vlt.s32 v17, v2;
	v21 =	vsel vm14, v0, v1;
	v20 =	vsel vm0, v20, v12  }
0x2e: {  	v21 =	vsel vm15, v21, v2;
	vm0 =	vlt.s32 v17, v3;
	v20 =	vsel vm3, v20, v13  }
0x2f: {  	v21 =	vsel vm0, v21, v3;
	vm0 =	vlt.s32 v17, v5;
	v20 =	vsel vm2, v20, v14  }
0x30: {  	s6 =	simm.s32 $0x20;
	s5 =	simm.s32 $0x1080;
	v21 =	vsel vm0, v21, v5;
	vm0 =	vlt.s32 v17, v4;
	v20 =	vsel vm1, v20, v15  }
.LBB2_1:
0x31: {  	s6 =	sadd.s32 $0x10, s6;
	v21 =	vsel vm0, v21, v4;
	vm0 =	vlt.s32 v17, v6;
	v20 =	vsub.s32 v19, v20;
	[tilespmem:s5+$0x0] =	vst v18  }
0x32: {  	v19 =	vmov v17;
	s7 =	sadd.s32 s4, s6;
	v18 =	vsel vm0, v21, v6;
	vm0 =	vlt.s32 v17, v9  }
0x33: {  	v17 =	vor.u32 s7, v16;
	v18 =	vsel vm0, v18, v9;
	vm0 =	vlt.s32 v19, v7  }
0x34: {  	p0 =	slt.u32 s6, $0x3F0;
	vm1 =	vlt.s32 v19, v15;
	v18 =	vsel vm0, v18, v7;
	vm0 =	vlt.s32 v19, v8  }
0x35: {  	vm2 =	vlt.s32 v19, v14;
	v18 =	vsel vm0, v18, v8;
	vm0 =	vlt.s32 v19, v10  }
0x36: {  	vm3 =	vlt.s32 v19, v13;
	v21 =	vsel vm0, v18, v10;
	vm0 =	vlt.s32 v19, v11;
	v18 =	vld.idx.msk [tilespmem:v20+s3+$0x0], $0xffff  }
.Ltmp0:
0x37: {  	vm4 =	vlt.s32 v17, v1;
	v20 =	vsel vm0, v21, v11;
	vm0 =	vlt.s32 v19, v12;
	(pc) =	sbr.rel @p0 .LBB2_1-.Ltmp0, $4  }
0x38: {  	v21 =	vsel vm4, v0, v1;
	vm4 =	vlt.s32 v17, v2;
	v20 =	vsel vm0, v20, v12  }
0x39: {  	v21 =	vsel vm4, v21, v2;
	vm0 =	vlt.s32 v17, v3;
	v20 =	vsel vm3, v20, v13  }
0x3a: {  	v21 =	vsel vm0, v21, v3;
	vm0 =	vlt.s32 v17, v5;
	v20 =	vsel vm2, v20, v14  }
0x3b: {  	s5 =	sadd.s32 $0x10, s5;
	v21 =	vsel vm0, v21, v5;
	vm0 =	vlt.s32 v17, v4;
	v20 =	vsel vm1, v20, v15  }
0x3c: {  	v16 =	vsel vm0, v21, v4;
	vm0 =	vlt.s32 v17, v6  }
0x3d: {  	v16 =	vsel vm0, v16, v6;
	vm0 =	vlt.s32 v17, v9  }
0x3e: {  	v19 =	vsub.s32 v19, v20;
	s4 =	sadd.s32 $0x400, s4;
	v16 =	vsel vm0, v16, v9;
	vm0 =	vlt.s32 v17, v7  }
0x3f: {  	vm1 =	vlt.s32 v17, v15;
	s6 =	sadd.s32 $0x3F0, s4;
	v16 =	vsel vm0, v16, v7;
	vm0 =	vlt.s32 v17, v8  }
0x40: {  	s6 =	sadd.s32 $0xFFFFFC10, s6;
	v20 =	vsel vm0, v16, v8;
	vm0 =	vlt.s32 v17, v10;
	v16 =	vlaneseq.u32  }
0x41: {  	v20 =	vsel vm0, v20, v10;
	vm0 =	vlt.s32 v17, v11;
	v21 =	vor.u32 s6, v16  }
0x42: {  	vm2 =	vlt.s32 v17, v14;
	v20 =	vsel vm0, v20, v11;
	vm0 =	vlt.s32 v21, v1  }
0x43: {  	vm3 =	vlt.s32 v17, v12;
	v22 =	vsel vm0, v0, v1;
	vm0 =	vlt.s32 v21, v2  }
0x44: {  	v20 =	vsel vm3, v20, v12;
	v22 =	vsel vm0, v22, v2;
	vm0 =	vlt.s32 v21, v3  }
0x45: {  	vm3 =	vlt.s32 v17, v13;
	v22 =	vsel vm0, v22, v3;
	vm0 =	vlt.s32 v21, v5  }
0x46: {  	v20 =	vsel vm3, v20, v13;
	v22 =	vsel vm0, v22, v5;
	vm0 =	vlt.s32 v21, v4  }
0x47: {  	v20 =	vsel vm2, v20, v14;
	v22 =	vsel vm0, v22, v4;
	vm0 =	vlt.s32 v21, v6  }
0x48: {  	vm2 =	vlt.s32 v21, v13;
	v22 =	vsel vm0, v22, v6;
	vm0 =	vlt.s32 v21, v9  }
0x49: {  	v20 =	vsel vm1, v20, v15;
	v22 =	vsel vm0, v22, v9;
	vm0 =	vlt.s32 v21, v7  }
0x4a: {  	s26 =	sadd.s32 $0x400, s4;
	vm1 =	vlt.s32 v21, v15;
	v22 =	vsel vm0, v22, v7;
	vm0 =	vlt.s32 v21, v8  }
0x4b: {  	s6 =	sadd.s32 $0xFFFFFC10, s26;
	v20 =	vsub.s32 v17, v20;
	v22 =	vsel vm0, v22, v8;
	vm0 =	vlt.s32 v21, v10  }
0x4c: {  	v17 =	vor.u32 s6, v16;
	v22 =	vsel vm0, v22, v10;
	vm0 =	vlt.s32 v21, v11  }
0x4d: {  	vm3 =	vlt.s32 v17, v1;
	v22 =	vsel vm0, v22, v11;
	vm0 =	vlt.s32 v21, v12  }
0x4e: {  	v23 =	vsel vm3, v0, v1;
	v22 =	vsel vm0, v22, v12;
	vm0 =	vlt.s32 v17, v2  }
0x4f: {  	v23 =	vsel vm0, v23, v2;
	vm0 =	vlt.s32 v17, v3;
	v22 =	vsel vm2, v22, v13  }
0x50: {  	vm2 =	vlt.s32 v21, v14;
	v23 =	vsel vm0, v23, v3;
	vm0 =	vlt.s32 v17, v5  }
0x51: {  	v22 =	vsel vm2, v22, v14;
	v23 =	vsel vm0, v23, v5;
	vm0 =	vlt.s32 v17, v4  }
0x52: {  	v22 =	vsel vm1, v22, v15;
	v23 =	vsel vm0, v23, v4;
	vm0 =	vlt.s32 v17, v6  }
0x53: {  	v24 =	vld.idx.msk [tilespmem:v19+s3+$0x0], $0xffff;
	v21 =	vsub.s32 v21, v22;
	v22 =	vsel vm0, v23, v6;
	vm0 =	vlt.s32 v17, v9  }
0x54: {  	v20 =	vld.idx.msk [tilespmem:v20+s3+$0x0], $0xffff;
	v22 =	vsel vm0, v22, v9;
	vm0 =	vlt.s32 v17, v7  }
0x55: {  	vm1 =	vlt.s32 v17, v8;
	v22 =	vsel vm0, v22, v7  }
0x56: {  	v22 =	vsel vm1, v22, v8;
	vm1 =	vlt.s32 v17, v10  }
0x57: {  	[tilespmem:s5+$0x0] =	vst v18;
	s29 =	sadd.s32 $0x10, s5;
	s31 =	simm.s32 $0x0;
	s7 =	simm.s32 $0x1080;
	v18 =	vsel vm1, v22, v10;
	vm1 =	vlt.s32 v17, v11  }
0x58: {  	s28 =	sadd.s32 $0x410, s4;
	s5 =	sadd.s32 $0x10, s29;
	[tilespmem:s29+$0x0] =	vst v24;
	s3 =	sshll.u32 s2, $0x8;
	v18 =	vsel vm1, v18, v11;
	vm1 =	vlt.s32 v17, v12  }
0x59: {  	s6 =	sadd.s32 $0xFFFFFC10, s28;
	vm3 =	vlt.s32 v17, v13;
	s30 =	sadd.s32 s1, s3;
	[tilespmem:s5+$0x0] =	vst v20;
	s5 =	simm.s32 $0x80;
	v18 =	vsel vm1, v18, v12  }
0x5a: {  	v19 =	vor.u32 s6, v16;
	vm2 =	vlt.s32 v17, v14;
	[hbm4b:s30+s31] =	stream.linear.scatter [tilespmem:s7], [sflag:$0x1], $0x400, $0x38;
	v18 =	vsel vm3, v18, v13;
	[tilespmem:$0x1880] =	vst v63  }
0x5b: {  	vm4 =	vlt.s32 v19, v1;
	v22 =	vsel vm2, v18, v14;
	v18 =	vld.idx.msk [tilespmem:v21+s5+$0x0], $0xffff  }
0x5c: {  	vm15 =	vlt.s32 v19, v2;
	v20 =	vsel vm4, v0, v1  }
0x5d: {  	v20 =	vsel vm15, v20, v2;
	vm1 =	vlt.s32 v19, v3  }
0x5e: {  	vm0 =	vlt.s32 v17, v15;
	v20 =	vsel vm1, v20, v3;
	vm1 =	vlt.s32 v19, v5  }
0x5f: {  	s6 =	simm.s32 $0x1480;
	s7 =	simm.s32 $0x420;
	v21 =	vsel vm1, v20, v5;
	vm1 =	vlt.s32 v19, v4;
	v20 =	vsel vm0, v22, v15  }
.LBB2_3:
0x60: {  	s8 =	sadd.s32 s7, s4;
	v21 =	vsel vm1, v21, v4;
	vm0 =	vlt.s32 v19, v6;
	v20 =	vsub.s32 v17, v20;
	[tilespmem:s6+$0x0] =	vst v18  }
0x61: {  	v17 =	vmov v19;
	s8 =	sadd.s32 $0xFFFFFC10, s8;
	v18 =	vsel vm0, v21, v6;
	vm0 =	vlt.s32 v19, v9  }
0x62: {  	v19 =	vor.u32 s8, v16;
	v18 =	vsel vm0, v18, v9;
	vm0 =	vlt.s32 v17, v7  }
0x63: {  	s7 =	sadd.s32 $0x10, s7;
	vm2 =	vlt.s32 v17, v15;
	v18 =	vsel vm0, v18, v7;
	vm0 =	vlt.s32 v17, v8  }
0x64: {  	p0 =	slt.u32 s7, $0x7F0;
	vm1 =	vlt.s32 v17, v14;
	v18 =	vsel vm0, v18, v8;
	vm0 =	vlt.s32 v17, v10  }
0x65: {  	vm3 =	vlt.s32 v17, v13;
	v21 =	vsel vm0, v18, v10;
	vm0 =	vlt.s32 v17, v11;
	v18 =	vld.idx.msk [tilespmem:v20+s5+$0x0], $0xffff  }
.Ltmp1:
0x66: {  	vm4 =	vlt.s32 v19, v1;
	v20 =	vsel vm0, v21, v11;
	vm0 =	vlt.s32 v17, v12;
	(pc) =	sbr.rel @p0 .LBB2_3-.Ltmp1, $4  }
0x67: {  	v21 =	vsel vm4, v0, v1;
	vm4 =	vlt.s32 v19, v2;
	v20 =	vsel vm0, v20, v12  }
0x68: {  	v21 =	vsel vm4, v21, v2;
	vm0 =	vlt.s32 v19, v3;
	v20 =	vsel vm3, v20, v13  }
0x69: {  	v21 =	vsel vm0, v21, v3;
	vm0 =	vlt.s32 v19, v5;
	v20 =	vsel vm1, v20, v14  }
0x6a: {  	s6 =	sadd.s32 $0x10, s6;
	v21 =	vsel vm0, v21, v5;
	vm1 =	vlt.s32 v19, v4;
	v20 =	vsel vm2, v20, v15  }
0x6b: {  	v0 =	vsel vm1, v21, v4;
	vm0 =	vlt.s32 v19, v6  }
0x6c: {  	vm7 =	vlt.s32 v19, v9;
	v0 =	vsel vm0, v0, v6  }
0x6d: {  	vm8 =	vlt.s32 v19, v7;
	v0 =	vsel vm7, v0, v9  }
0x6e: {  	vm9 =	vlt.s32 v19, v8;
	v0 =	vsel vm8, v0, v7  }
0x6f: {  	vm10 =	vlt.s32 v19, v10;
	v0 =	vsel vm9, v0, v8  }
0x70: {  	vm11 =	vlt.s32 v19, v11;
	v0 =	vsel vm10, v0, v10  }
0x71: {  	vm12 =	vlt.s32 v19, v12;
	v0 =	vsel vm11, v0, v11  }
0x72: {  	vm13 =	vlt.s32 v19, v13;
	v0 =	vsel vm12, v0, v12  }
0x73: {  	vm14 =	vlt.s32 v19, v14;
	v0 =	vsel vm13, v0, v13  }
0x74: {  	vm15 =	vlt.s32 v19, v15;
	v0 =	vsel vm14, v0, v14  }
0x75: {  	v1 =	vsub.s32 v17, v20;
	v0 =	vsel vm15, v0, v15  }
0x76: {  	v0 =	vsub.s32 v19, v0;
	_ =	sdelay $0x3  }
0x77: {  	v1 =	vld.idx.msk [tilespmem:v1+s5+$0x0], $0xffff  }
0x78: {  	v0 =	vld.idx.msk [tilespmem:v0+s5+$0x0], $0xffff;
	_ =	sdelay $0x2  }
0x79: {  	[tilespmem:s6+$0x0] =	vst v18;
	s4 =	sadd.s32 $0x10, s6  }
0x7a: {  	s1 =	sadd.s32 s3, s1;
	s28 =	simm.s32 $0x0;
	[tilespmem:s4+$0x0] =	vst v1;
	s4 =	sadd.s32 $0x10, s4  }
0x7b: {  	s29 =	simm.s32 $0x1480;
	s30 =	simm.s32 $0x2;
	s1 =	sadd.s32 $0x80, s1;
	[tilespmem:s4+$0x0] =	vst v0  }
0x7c: {  	[hbm4b:s1+s28] =	stream.linear.scatter [tilespmem:s29], [sflag:$0x2], $0x400, $0x38;
	[tilespmem:$0x1880] =	vst v63  }
0x7d: {  	_ =	swait.ge [sflag:s30], $0x400  }
0x7e: {  	[sflag:s30] =	ssyncset.done $0x0  }
0x7f: {  	s31 =	simm.s32 $0x1;
	[sflag:s30] =	ssyncadd.s32 $0xFFFFFC00  }
0x80: {  	_ =	swait.ge [sflag:s31], $0x400  }
0x81: {  	[sflag:s31] =	ssyncset.done $0x0  }
0x82: {  	[sflag:s31] =	ssyncadd.s32 $0xFFFFFC00  }
0x83: {  	_ =	sfence.sel $0x180000  }
0x84: {  	[bflag:$0x0] =	sbarrier.arrive $0xFFFF  }
0x85: {  	p0 =	sne.s32 s2, $0x0;
	_ =	strace $0x90000047  }
0x86: {  	s0 =	sadd.s32 @!p0 $0x100000, s0;
	[bflag:$0x2] =	sbarrier.arrive $0xFFFF  }
0x87: {  	[sflag:s0] =	ssyncadd.tile.s32 @!p0 $0x1;
	_ =	shalt  }
.Lfunc_end2:
_tile_overlayer_lowered:
.L_overlay_start_2:
0x88: {  	(tag) =	ssettag $0x2  }
0x89: {  	s0 =	rddreg [dreg:$0x0];
	s2 =	stileid.u32  }
0x8a: {  	s1 =	rddreg [dreg:$0x1];
	p0 =	sne.s32 s2, $0x0  }
0x8b: {  	s3 =	rddreg [dreg:$0x2];
	[bflag:$0x3] =	sbarrier.arrive $0xFFFF;
	s2 =	simm.s32 @!p0 $0x1C02  }
0x8c: {  	[timem:s3], [sflag:s2] =	dma.local @!p0 [hbm:s0], s1  }
0x8d: {  	s0 =	simm.s32 @!p0 $0x2  }
0x8e: {  	_ =	swait.ge @!p0 [sflag:s0], s1  }
0x8f: {  	s1 =	ssub.s32 @!p0 $0x0, s1;
	[sflag:s0] =	ssyncset.done @!p0 $0x0  }
0x90: {  	[sflag:s0] =	ssyncadd.s32 @!p0 s1  }
0x91: {  	[bflag:$0x3] =	sbarrier.arrive $0xFFFF  }
0x92: {  	_ =	shalt  }

</sc_bundles>
